<compile_context>
chip_gen: v7x
topology: tpu7x:2x2x1
jax: 0.10.2.dev20260603
libtpu: 0.0.44.dev20260713+nightly
codegen_flags: <defaults>
</compile_context>

<pallas_src>
import functools

import jax
import jax.numpy as jnp
from jax import lax
from jax.experimental import pallas as pl
from jax.experimental.pallas import tpu as pltpu
from jax.experimental.pallas import tpu_sc as plsc

_LANES = 16
_CHUNK = 8


def kernel(inputs, relative_embedding):
    seq_len = inputs.shape[1]
    num_rows, d = relative_embedding.shape
    max_d = (num_rows - 1) // 2
    lo, hi = -seq_len + 1, seq_len - 1

    n_full = num_rows // _CHUNK
    rem = num_rows - n_full * _CHUNK

    mesh = plsc.VectorSubcoreMesh(
        core_axis_name="c", subcore_axis_name="s", num_cores=1
    )

    dh = d // 2

    @functools.partial(
        pl.kernel,
        mesh=mesh,
        out_type=jax.ShapeDtypeStruct((num_rows, d), jnp.float32),
        scratch_types=[
            pltpu.VMEM((_LANES,), jnp.int32),
            pltpu.VMEM((_CHUNK, dh), jnp.float32),
            pltpu.SemaphoreType.DMA,
        ],
    )
    def emb_gather(table_hbm, out_hbm, idx_v, rows_v, sem):
        wid = lax.axis_index("s")
        rc = wid // 2
        coff = (wid % 2) * dh
        base = rc * _CHUNK

        p = lax.iota(jnp.int32, _LANES) + base
        r = jnp.minimum(jnp.maximum(p - max_d, lo), hi) + max_d
        idx_v[...] = jnp.minimum(r, num_rows - 1)

        @pl.when(rc < n_full)
        def _full():
            pltpu.async_copy(
                table_hbm.at[idx_v.at[pl.ds(0, _CHUNK)], pl.ds(coff, dh)],
                rows_v,
                sem,
            ).wait()
            pltpu.sync_copy(
                rows_v, out_hbm.at[pl.ds(base, _CHUNK), pl.ds(coff, dh)]
            )

        if rem:

            @pl.when(rc == n_full)
            def _tail():
                pltpu.async_copy(
                    table_hbm.at[idx_v.at[pl.ds(0, _CHUNK)], pl.ds(coff, dh)],
                    rows_v,
                    sem,
                ).wait()
                pltpu.sync_copy(
                    rows_v.at[pl.ds(0, rem)],
                    out_hbm.at[pl.ds(base, rem), pl.ds(coff, dh)],
                )

    return emb_gather(relative_embedding)

# --- scband reference (transcript-rebuilt; emitter-appended) ---
"""Pipeline reference for scband-relative-positional-embedding-2473901162891 (READ-ONLY COPY).

The authoritative reference and input builder live on the scoring server;
editing this copy changes nothing except your own understanding.
"""

import jax, jax.numpy as jnp
import numpy as np

MAX_DISTANCE = 20

def setup_inputs(seed: int = 0) -> dict:
    key = jax.random.key(seed)
    k1, k2 = jax.random.split(key)
    inputs = jax.random.normal(k1, (2, 4096, 1024), dtype=jnp.float32)
    # glorot_uniform for shape (2*max_distance+1, d)
    fan_in, fan_out = 2 * MAX_DISTANCE + 1, 1024
    limit = float(np.sqrt(6.0 / (fan_in + fan_out)))
    relative_embedding = jax.random.uniform(k2, (2 * MAX_DISTANCE + 1, 1024), dtype=jnp.float32, minval=-limit, maxval=limit)
    return {"inputs": inputs, "relative_embedding": relative_embedding}

def reference(inputs, relative_embedding):
    seq_len = inputs.shape[1]
    indices = jnp.arange(-MAX_DISTANCE, MAX_DISTANCE + 1)
    relative_indices = jnp.minimum(jnp.maximum(indices, -seq_len + 1), seq_len - 1)
    return jnp.take(relative_embedding, relative_indices + MAX_DISTANCE, axis=0)

if __name__ == "__main__":
    import jax
    _d = setup_inputs()
    print(jax.jit(kernel)(*tuple(_d.values())))

</pallas_src>

<mosaic_0001>
#map = affine_map<(d0, d1) -> (0, 0)>
module attributes {stable_mosaic.version = 14 : i64} {
  func.func @emb_gather(%arg0: i32, %arg1: i32, %arg2: memref<41x1024xf32, #tpu.memory_space<hbm>>, %arg3: memref<41x1024xf32, #tpu.memory_space<hbm>>, %arg4: memref<16xi32, #tpu.memory_space<vmem>>, %arg5: memref<8x512xf32, #tpu.memory_space<vmem>>, %arg6: memref<!tpu.dma_semaphore, #tpu.memory_space<semaphore_mem>>) attributes {dimension_semantics = [#tpu.dimension_semantics<core_parallel>, #tpu.dimension_semantics<subcore_parallel>], iteration_bounds = array<i64: 1, 16>, scalar_prefetch = 0 : i64, scratch_operands = 3 : i64, tpu.core_type = #tpu.core_type<sc_vector_subcore>, window_params = [{transform_indices = #map}, {transform_indices = #map}]} {
    %jit3A = arith.constant 2 : i32
    %div3A = arith.divsi %arg1, %jit3A : i32
    %sign3A = arith.constant 0 : i32
    %sign3A_0 = arith.cmpi sgt, %arg1, %sign3A : i32
    %sign3A_1 = arith.extui %sign3A_0 : i1 to i32
    %sign3A_2 = arith.constant 0 : i32
    %sign3A_3 = arith.cmpi slt, %arg1, %sign3A_2 : i32
    %sign3A_4 = arith.extui %sign3A_3 : i1 to i32
    %sign3A_5 = arith.subi %sign3A_1, %sign3A_4 : i32
    %sign3A_6 = arith.constant 0 : i32
    %sign3A_7 = arith.cmpi sgt, %jit3A, %sign3A_6 : i32
    %sign3A_8 = arith.extui %sign3A_7 : i1 to i32
    %sign3A_9 = arith.constant 0 : i32
    %sign3A_10 = arith.cmpi slt, %jit3A, %sign3A_9 : i32
    %sign3A_11 = arith.extui %sign3A_10 : i1 to i32
    %sign3A_12 = arith.subi %sign3A_8, %sign3A_11 : i32
    %ne3A = arith.cmpi ne, %sign3A_5, %sign3A_12 : i32
    %rem3A = arith.remsi %arg1, %jit3A : i32
    %ne3A_13 = arith.constant 0 : i32
    %ne3A_14 = arith.cmpi ne, %rem3A, %ne3A_13 : i32
    %and3A = arith.andi %ne3A, %ne3A_14 : i1
    %sub3A = arith.constant 1 : i32
    %sub3A_15 = arith.subi %div3A, %sub3A : i32
    %select_n3A = arith.select %and3A, %sub3A_15, %div3A : i32
    %jit3A_16 = arith.constant 2 : i32
    %eq3A = arith.constant 0 : i32
    %eq3A_17 = arith.cmpi eq, %jit3A_16, %eq3A : i32
    %jit3A_18 = arith.constant 1 : i32
    %select_n3A_19 = arith.select %eq3A_17, %jit3A_18, %jit3A_16 : i32
    %rem3A_20 = arith.remsi %arg1, %select_n3A_19 : i32
    %ne3A_21 = arith.constant 0 : i32
    %ne3A_22 = arith.cmpi ne, %rem3A_20, %ne3A_21 : i32
    %lt3A = arith.constant 0 : i32
    %lt3A_23 = arith.cmpi slt, %rem3A_20, %lt3A : i32
    %lt3A_24 = arith.constant 0 : i32
    %lt3A_25 = arith.cmpi slt, %select_n3A_19, %lt3A_24 : i32
    %ne3A_26 = arith.xori %lt3A_23, %lt3A_25 : i1
    %and3A_27 = arith.andi %ne3A_26, %ne3A_22 : i1
    %add3A = arith.addi %rem3A_20, %select_n3A_19 : i32
    %select_n3A_28 = arith.select %and3A_27, %add3A, %rem3A_20 : i32
    %mul3A = arith.constant 512 : i32
    %mul3A_29 = arith.muli %select_n3A_28, %mul3A : i32
    %mul3A_30 = arith.constant 8 : i32
    %mul3A_31 = arith.muli %select_n3A, %mul3A_30 : i32
    %iota3A = tpu.iota {dimensions = array<i32: 0>} : vector<16xi32>
    %add3A_32 = vector.broadcast %mul3A_31 : i32 to vector<16xi32>
    %add3A_33 = arith.addi %iota3A, %add3A_32 : vector<16xi32>
    %sub3A_34 = arith.constant 20 : i32
    %sub3A_35 = vector.broadcast %sub3A_34 : i32 to vector<16xi32>
    %sub3A_36 = arith.subi %add3A_33, %sub3A_35 : vector<16xi32>
    %max3A = arith.constant -4095 : i32
    %max3A_37 = vector.broadcast %max3A : i32 to vector<16xi32>
    %max3A_38 = arith.maxsi %sub3A_36, %max3A_37 : vector<16xi32>
    %min3A = arith.constant 4095 : i32
    %min3A_39 = vector.broadcast %min3A : i32 to vector<16xi32>
    %min3A_40 = arith.minsi %max3A_38, %min3A_39 : vector<16xi32>
    %add3A_41 = arith.constant 20 : i32
    %add3A_42 = vector.broadcast %add3A_41 : i32 to vector<16xi32>
    %add3A_43 = arith.addi %min3A_40, %add3A_42 : vector<16xi32>
    %min3A_44 = arith.constant 40 : i32
    %min3A_45 = vector.broadcast %min3A_44 : i32 to vector<16xi32>
    %min3A_46 = arith.minsi %add3A_43, %min3A_45 : vector<16xi32>
    %swap3A = arith.constant 0 : index
    %swap3A_47 = tpu.vector_load %arg4[%swap3A] {strides = array<i32>} : memref<16xi32, #tpu.memory_space<vmem>>, vector<16xi32>,
    %swap3A_48 = vector.shape_cast %swap3A_47 : vector<16xi32> to vector<16xi32>
    %swap3A_49 = vector.shape_cast %min3A_46 : vector<16xi32> to vector<16xi32>
    tpu.vector_store %arg4[%swap3A], %swap3A_49 {strides = array<i32>} : memref<16xi32, #tpu.memory_space<vmem>>, vector<16xi32>,
    %lt3A_50 = arith.constant 5 : i32
    %lt3A_51 = arith.cmpi slt, %select_n3A, %lt3A_50 : i32
    %convert_element_type3A = arith.extui %lt3A_51 : i1 to i32
    %cond3A = arith.constant 0 : i32
    %cond3A_52 = arith.cmpi ne, %convert_element_type3A, %cond3A : i32
    scf.if %cond3A_52 {
      %dma_start3A = arith.constant 0 : i32
      %dma_start3A_58 = tpu.memref_slice %arg4[%dma_start3A] : memref<16xi32, #tpu.memory_space<vmem>> -> memref<8xi32, #tpu.memory_space<vmem>>
      %dma_start3A_59 = arith.constant 0 : i32
      %dma_start3A_60 = tpu.memref_slice %arg2[%dma_start3A_59, %mul3A_29] : memref<41x1024xf32, #tpu.memory_space<hbm>> -> memref<41x512xf32, #tpu.memory_space<hbm>>
      tpu.enqueue_indirect_dma source(%dma_start3A_60 : memref<41x512xf32, #tpu.memory_space<hbm>>) target(%arg5 : memref<8x512xf32, #tpu.memory_space<vmem>>) offsets(%dma_start3A_58 : memref<8xi32, #tpu.memory_space<vmem>>) semaphore(%arg6 : memref<!tpu.dma_semaphore, #tpu.memory_space<semaphore_mem>>)
      %dma_wait3A = arith.constant 0 : i32
      %dma_wait3A_61 = tpu.memref_slice %arg4[%dma_wait3A] : memref<16xi32, #tpu.memory_space<vmem>> -> memref<8xi32, #tpu.memory_space<vmem>>
      %dma_wait3A_62 = arith.constant 0 : i32
      %dma_wait3A_63 = tpu.memref_slice %arg2[%dma_wait3A_62, %mul3A_29] : memref<41x1024xf32, #tpu.memory_space<hbm>> -> memref<41x512xf32, #tpu.memory_space<hbm>>
      tpu.wait_indirect_dma semaphore(%arg6 : memref<!tpu.dma_semaphore, #tpu.memory_space<semaphore_mem>>) src(%dma_wait3A_63 : memref<41x512xf32, #tpu.memory_space<hbm>>) dst(%arg5 : memref<8x512xf32, #tpu.memory_space<vmem>>)
      "tpu.region"() ({
        %run_scoped3A = tpu.sem_alloc : memref<!tpu.dma_semaphore, #tpu.memory_space<semaphore_mem>>
        %dma_start3A_64 = tpu.memref_slice %arg3[%mul3A_31, %mul3A_29] : memref<41x1024xf32, #tpu.memory_space<hbm>> -> memref<8x512xf32, #tpu.memory_space<hbm>>
        %dma_start3A_65 = tpu.memref_slice %arg3[%mul3A_31, %mul3A_29] : memref<41x1024xf32, #tpu.memory_space<hbm>> -> memref<8x512xf32, #tpu.memory_space<hbm>>
        tpu.enqueue_dma source(%arg5 : memref<8x512xf32, #tpu.memory_space<vmem>>) target(%dma_start3A_65 : memref<8x512xf32, #tpu.memory_space<hbm>>) target_semaphore(%run_scoped3A : memref<!tpu.dma_semaphore, #tpu.memory_space<semaphore_mem>>)
        %dma_wait3A_66 = tpu.memref_slice %arg3[%mul3A_31, %mul3A_29] : memref<41x1024xf32, #tpu.memory_space<hbm>> -> memref<8x512xf32, #tpu.memory_space<hbm>>
        %dma_wait3A_67 = tpu.memref_slice %arg3[%mul3A_31, %mul3A_29] : memref<41x1024xf32, #tpu.memory_space<hbm>> -> memref<8x512xf32, #tpu.memory_space<hbm>>
        tpu.wait_dma2 semaphore(%run_scoped3A : memref<!tpu.dma_semaphore, #tpu.memory_space<semaphore_mem>>) src(%arg5 : memref<8x512xf32, #tpu.memory_space<vmem>>) dst(%dma_wait3A_67 : memref<8x512xf32, #tpu.memory_space<hbm>>)
        tpu.yield
      }) : () -> ()
    } else {
    }
    %eq3A_53 = arith.constant 5 : i32
    %eq3A_54 = arith.cmpi eq, %select_n3A, %eq3A_53 : i32
    %convert_element_type3A_55 = arith.extui %eq3A_54 : i1 to i32
    %cond3A_56 = arith.constant 0 : i32
    %cond3A_57 = arith.cmpi ne, %convert_element_type3A_55, %cond3A_56 : i32
    scf.if %cond3A_57 {
      %dma_start3A = arith.constant 0 : i32
      %dma_start3A_58 = tpu.memref_slice %arg4[%dma_start3A] : memref<16xi32, #tpu.memory_space<vmem>> -> memref<8xi32, #tpu.memory_space<vmem>>
      %dma_start3A_59 = arith.constant 0 : i32
      %dma_start3A_60 = tpu.memref_slice %arg2[%dma_start3A_59, %mul3A_29] : memref<41x1024xf32, #tpu.memory_space<hbm>> -> memref<41x512xf32, #tpu.memory_space<hbm>>
      tpu.enqueue_indirect_dma source(%dma_start3A_60 : memref<41x512xf32, #tpu.memory_space<hbm>>) target(%arg5 : memref<8x512xf32, #tpu.memory_space<vmem>>) offsets(%dma_start3A_58 : memref<8xi32, #tpu.memory_space<vmem>>) semaphore(%arg6 : memref<!tpu.dma_semaphore, #tpu.memory_space<semaphore_mem>>)
      %dma_wait3A = arith.constant 0 : i32
      %dma_wait3A_61 = tpu.memref_slice %arg4[%dma_wait3A] : memref<16xi32, #tpu.memory_space<vmem>> -> memref<8xi32, #tpu.memory_space<vmem>>
      %dma_wait3A_62 = arith.constant 0 : i32
      %dma_wait3A_63 = tpu.memref_slice %arg2[%dma_wait3A_62, %mul3A_29] : memref<41x1024xf32, #tpu.memory_space<hbm>> -> memref<41x512xf32, #tpu.memory_space<hbm>>
      tpu.wait_indirect_dma semaphore(%arg6 : memref<!tpu.dma_semaphore, #tpu.memory_space<semaphore_mem>>) src(%dma_wait3A_63 : memref<41x512xf32, #tpu.memory_space<hbm>>) dst(%arg5 : memref<8x512xf32, #tpu.memory_space<vmem>>)
      "tpu.region"() ({
        %run_scoped3A = tpu.sem_alloc : memref<!tpu.dma_semaphore, #tpu.memory_space<semaphore_mem>>
        %dma_start3A_64 = arith.constant 0 : i32
        %dma_start3A_65 = arith.constant 0 : i32
        %dma_start3A_66 = tpu.memref_slice %arg5[%dma_start3A_64, %dma_start3A_65] : memref<8x512xf32, #tpu.memory_space<vmem>> -> memref<1x512xf32, #tpu.memory_space<vmem>>
        %dma_start3A_67 = tpu.memref_slice %arg3[%mul3A_31, %mul3A_29] : memref<41x1024xf32, #tpu.memory_space<hbm>> -> memref<1x512xf32, #tpu.memory_space<hbm>>
        %dma_start3A_68 = tpu.memref_slice %arg3[%mul3A_31, %mul3A_29] : memref<41x1024xf32, #tpu.memory_space<hbm>> -> memref<1x512xf32, #tpu.memory_space<hbm>>
        %dma_start3A_69 = arith.constant 0 : i32
        %dma_start3A_70 = arith.constant 0 : i32
        %dma_start3A_71 = tpu.memref_slice %arg5[%dma_start3A_69, %dma_start3A_70] : memref<8x512xf32, #tpu.memory_space<vmem>> -> memref<1x512xf32, #tpu.memory_space<vmem>>
        tpu.enqueue_dma source(%dma_start3A_71 : memref<1x512xf32, #tpu.memory_space<vmem>>) target(%dma_start3A_68 : memref<1x512xf32, #tpu.memory_space<hbm>>) target_semaphore(%run_scoped3A : memref<!tpu.dma_semaphore, #tpu.memory_space<semaphore_mem>>)
        %dma_wait3A_72 = arith.constant 0 : i32
        %dma_wait3A_73 = arith.constant 0 : i32
        %dma_wait3A_74 = tpu.memref_slice %arg5[%dma_wait3A_72, %dma_wait3A_73] : memref<8x512xf32, #tpu.memory_space<vmem>> -> memref<1x512xf32, #tpu.memory_space<vmem>>
        %dma_wait3A_75 = tpu.memref_slice %arg3[%mul3A_31, %mul3A_29] : memref<41x1024xf32, #tpu.memory_space<hbm>> -> memref<1x512xf32, #tpu.memory_space<hbm>>
        %dma_wait3A_76 = tpu.memref_slice %arg3[%mul3A_31, %mul3A_29] : memref<41x1024xf32, #tpu.memory_space<hbm>> -> memref<1x512xf32, #tpu.memory_space<hbm>>
        %dma_wait3A_77 = arith.constant 0 : i32
        %dma_wait3A_78 = arith.constant 0 : i32
        %dma_wait3A_79 = tpu.memref_slice %arg5[%dma_wait3A_77, %dma_wait3A_78] : memref<8x512xf32, #tpu.memory_space<vmem>> -> memref<1x512xf32, #tpu.memory_space<vmem>>
        tpu.wait_dma2 semaphore(%run_scoped3A : memref<!tpu.dma_semaphore, #tpu.memory_space<semaphore_mem>>) src(%dma_wait3A_79 : memref<1x512xf32, #tpu.memory_space<vmem>>) dst(%dma_wait3A_76 : memref<1x512xf32, #tpu.memory_space<hbm>>)
        tpu.yield
      }) : () -> ()
    } else {
    }
    return
  }
}

</mosaic_0001>

<sc_bundles>
// kernel: kernel.3.cloned.1.call-start
scs
__scs_entry_jumppad:
0x0: {  	(pc) =	sbr.rel $0x88, $3  }
0x1: {  	(tag) =	ssettag $0x0;
	lr =	simm.s32 $0x1  }
0x2: {  	[smem:$0x3FA0] =	sst lr;
	_ =	strace $0xD0000000  }
0x3: {  	_ = 	snop  }
0x4: {  	_ = 	snop  }
0x5: {  	_ = 	snop  }
0x6: {  	_ = 	snop  }
0x7: {  	_ = 	snop  }
__scs_overlays_trampoline_lowered:
0x8: {  	[smem:$0x3FAF] =	sst s0  }
0x9: {  	[smem:$0x3FB0] =	sst s1  }
0xa: {  	[smem:$0x3FB1] =	sst s2  }
0xb: {  	[smem:$0x3FB2] =	sst s3  }
0xc: {  	[smem:$0x3FB3] =	sst s4  }
0xd: {  	[smem:$0x3FB4] =	sst s5  }
0xe: {  	[smem:$0x3FB5] =	sst s6  }
0xf: {  	[smem:$0x3FB6] =	sst s7  }
0x10: {  	[smem:$0x3FB7] =	sst s8  }
0x11: {  	[smem:$0x3FB8] =	sst s9;
	s0 =	simm.s32 @!p0 $0x0  }
0x12: {  	s1 =	sld [smem:$0x3F9E];
	s0 =	simm.s32 @p0 $0x1  }
0x13: {  	[smem:$0x3FB9] =	sst s0;
	s0 =	simm.s32 @!p1 $0x0  }
0x14: {  	s2 =	sld [smem:$0x3F9D];
	s0 =	simm.s32 @p1 $0x1  }
0x15: {  	[smem:$0x3FBA] =	sst s0;
	s0 =	simm.s32 @!p2 $0x0  }
0x16: {  	s3 =	sld [smem:$0x3FDB];
	s0 =	simm.s32 @p2 $0x1  }
0x17: {  	s4 =	simm.s32 $0x1BF5;
	[smem:$0x3FBC] =	sst s0  }
0x18: {  	s0 =	sld [smem:$0x3F9F];
	_ =	swait.ge [sflag:s4], $0x0  }
0x19: {  	s7 =	sld [smem:$0x3FA0]  }
0x1a: {  	s8 =	sadd.s32 $0xFFFFE003, lr  }
0x1b: {  	s9 =	sadd.s32 $0xFFFFFEF7, lr;
	s5 =	simm.s32 $0xFFFFFFFF;
	p2 =	slt.u32 s8, $0xFFFFF086  }
0x1c: {  	p1 =	slt.u32 s9, $0xF7A;
	s5 =	simm.s32 @!p2 $0x0  }
0x1d: {  	s5 =	simm.s32 @p1 $0x1;
	p0 =	seq.s32 s7, s2  }
0x1e: {  	s7 =	smul.u32 @!p0 $0xF7A, s2;
	p2 =	seq.s32 @!p0 s5, $0x0  }
0x1f: {  	s9 =	smul.u32 $0xF7A, s1;
	s8 =	simm.s32 @!p0 $0x1BF5;
	p2 =	por !p2, p0  }
0x20: {  	[sflag:s8] =	ssyncset.s32 @!p0 $0xFFFFF086;
	s6 =	sadd.s32 @!p0 s3, s7;
	s7 =	simm.s32 @!p0 $0x108  }
0x21: {  	s3 =	sadd.s32 s3, s9;
	s6 =	sadd.s32 @!p0 $0x88, s6;
	s7 =	simm.s32 @p2 $0x1082  }
0x22: {  	[simem:s7], [sflag:s8] =	dma.local @!p0 [hbm:s6], $0xF7A  }
0x23: {  	s9 =	sor.u32 $0xD0000000, s2;
	s6 =	simm.s32 $0x108;
	_ =	swait.ge @!p0 [sflag:s8], $0x0  }
0x24: {  	s3 =	sadd.s32 $0x88, s3;
	s6 =	simm.s32 @!p1 $0x1082;
	[sflag:s4] =	ssyncset.s32 $0xFFFFF086  }
0x25: {  	[simem:s6], [sflag:s4] =	dma.local [hbm:s3], $0xF7A  }
0x26: {  	[smem:$0x3FA0] =	sst s1;
	(tag) =	ssettag s2;
	_ =	strace s9  }
0x27: {  	s1 =	sld [smem:$0x3FB0]  }
0x28: {  	s2 =	sld [smem:$0x3FB1]  }
0x29: {  	s4 =	sld [smem:$0x3FB3]  }
0x2a: {  	p0 =	seq.s32 s5, $0x0;
	s5 =	sld [smem:$0x3FB4]  }
0x2b: {  	s6 =	sld [smem:$0x3FB5]  }
0x2c: {  	s7 =	sld [smem:$0x3FB6]  }
0x2d: {  	s3 =	simm.s32 $0x108;
	s8 =	sld [smem:$0x3FB7]  }
0x2e: {  	s3 =	simm.s32 @!p0 $0x1082;
	s9 =	sld [smem:$0x3FB8]  }
0x2f: {  	lr =	sadd.s32 s0, s3;
	s0 =	sld [smem:$0x3FAF]  }
0x30: {  	s3 =	sld [smem:$0x3FB2]  }
0x31: {  	[smem:$0x3FBB] =	sst s10  }
0x32: {  	s10 =	sld [smem:$0x3FB9];
	_ =	sdelay $0x3  }
0x33: {  	p0 =	seq.s32 s10, $0x1;
	s10 =	sld [smem:$0x3FBB];
	_ =	sdelay $0x3  }
0x34: {  	[smem:$0x3FBB] =	sst s10  }
0x35: {  	s10 =	sld [smem:$0x3FBA];
	_ =	sdelay $0x3  }
0x36: {  	p1 =	seq.s32 s10, $0x1;
	s10 =	sld [smem:$0x3FBB];
	_ =	sdelay $0x3  }
0x37: {  	[smem:$0x3FBB] =	sst s10  }
0x38: {  	s10 =	sld [smem:$0x3FBC]  }
0x39: {  	_ = 	snop;
	(pc) =	sbr.ind lr, $3  }
0x3a: {  	_ = 	snop  }
0x3b: {  	_ = 	snop  }
0x3c: {  	p2 =	seq.s32 s10, $0x1;
	s10 =	sld [smem:$0x3FBB]  }
0x3d: {  	_ =	shalt  }
0x3e: {  	_ =	shalt  }
0x3f: {  	_ =	shalt  }
0x40: {  	_ =	shalt  }
0x41: {  	_ =	shalt  }
0x42: {  	_ =	shalt  }
0x43: {  	_ =	shalt  }
0x44: {  	_ =	shalt  }
0x45: {  	_ =	shalt  }
0x46: {  	_ =	shalt  }
0x47: {  	_ =	shalt  }
0x48: {  	_ =	shalt  }
0x49: {  	_ =	shalt  }
0x4a: {  	_ =	shalt  }
0x4b: {  	_ =	shalt  }
0x4c: {  	_ =	shalt  }
0x4d: {  	_ =	shalt  }
0x4e: {  	_ =	shalt  }
0x4f: {  	_ =	shalt  }
0x50: {  	_ =	shalt  }
0x51: {  	_ =	shalt  }
0x52: {  	_ =	shalt  }
0x53: {  	_ =	shalt  }
0x54: {  	_ =	shalt  }
0x55: {  	_ =	shalt  }
0x56: {  	_ =	shalt  }
0x57: {  	_ =	shalt  }
0x58: {  	_ =	shalt  }
0x59: {  	_ =	shalt  }
0x5a: {  	_ =	shalt  }
0x5b: {  	_ =	shalt  }
0x5c: {  	_ =	shalt  }
0x5d: {  	_ =	shalt  }
0x5e: {  	_ =	shalt  }
0x5f: {  	_ =	shalt  }
0x60: {  	_ =	shalt  }
0x61: {  	_ =	shalt  }
0x62: {  	_ =	shalt  }
0x63: {  	_ =	shalt  }
0x64: {  	_ =	shalt  }
0x65: {  	_ =	shalt  }
0x66: {  	_ =	shalt  }
0x67: {  	_ =	shalt  }
0x68: {  	_ =	shalt  }
0x69: {  	_ =	shalt  }
0x6a: {  	_ =	shalt  }
0x6b: {  	_ =	shalt  }
0x6c: {  	_ =	shalt  }
0x6d: {  	_ =	shalt  }
0x6e: {  	_ =	shalt  }
0x6f: {  	_ =	shalt  }
0x70: {  	_ =	shalt  }
0x71: {  	_ =	shalt  }
0x72: {  	_ =	shalt  }
0x73: {  	_ =	shalt  }
0x74: {  	_ =	shalt  }
0x75: {  	_ =	shalt  }
0x76: {  	_ =	shalt  }
0x77: {  	_ =	shalt  }
0x78: {  	_ =	shalt  }
0x79: {  	_ =	shalt  }
0x7a: {  	_ =	shalt  }
0x7b: {  	_ =	shalt  }
0x7c: {  	_ =	shalt  }
0x7d: {  	_ =	shalt  }
0x7e: {  	_ =	shalt  }
0x7f: {  	_ =	shalt  }
0x80: {  	_ =	shalt  }
0x81: {  	_ =	shalt  }
0x82: {  	_ =	shalt  }
0x83: {  	_ =	shalt  }
0x84: {  	_ =	shalt  }
0x85: {  	_ =	shalt  }
0x86: {  	_ =	shalt  }
0x87: {  	_ =	shalt  }
.Lfunc_end0:
.L_simem_size_0:
called_computation_lowered:
.L_overlay_start_0:
0x88: {  	s0 =	sld [smem:$0x3FD9]  }
0x89: {  	s1 =	sld [smem:$0x3FFE];
	_ =	sdelay $0x3  }
0x8a: {  	s0 =	sadd.s32 s1, s0  }
0x8b: {  	[smem:$0x3FC7] =	sst s0  }
0x8c: {  	_ = 	snop  }
0x8d: {  	s0 =	sld [smem:$0x3FC9]  }
0x8e: {  	s17 =	sld [smem:$0x3FD0];
	(tm) =	ssettm $0x1  }
0x8f: {  	s2 =	sld [smem:$0x3FFB];
	_ =	sdelay $0x3  }
0x90: {  	_ =	strace s2  }
0x91: {  	s2 =	sld [smem:$0x3FFC];
	_ =	sdelay $0x3  }
0x92: {  	_ =	strace s2  }
0x93: {  	s2 =	sld [smem:$0x3FFD];
	_ =	sdelay $0x3  }
0x94: {  	_ =	strace s2  }
0x95: {  	_ =	strace $0x8FFFFFFF  }
0x96: {  	s18 =	sld [smem:$0x3FDB];
	_ =	sdelay $0x1  }
0x97: {  	s3 =	simm.s32 $_scs_section_size  }
0x98: {  	s4 =	simm.s32 $_size__tile_overlayer_lowered;
	s5 =	simm.s32 $_tile_overlayer_lowered  }
0x99: {  	s21 =	simm.s32 $0x1BFF;
	s20 =	sshll.u32 s5, $0x1;
	s2 =	sadd.s32 s3, s18  }
0x9a: {  	s6 =	simm.s32 $0x0;
	s19 =	sshll.u32 s4, $0x1;
	s4 =	sadd.s32 s20, s2  }
0x9b: {  	[timem:s6], [sflag:s21] =	dma.local [hbm:s4], s19  }
0x9c: {  	_ =	swait.ge [sflag:s21], s19  }
0x9d: {  	s3 =	ssub.s32 $0x0, s19;
	[sflag:s21] =	ssyncset.done $0x0  }
0x9e: {  	[sflag:s21] =	ssyncadd.s32 s3;
	_ =	sdelay $0x1  }
0x9f: {  	s22 =	simm.s32 $0x1B8B  }
0xa0: {  	_ =	swait.ge [sflag:s22], $0x1  }
0xa1: {  	[sflag:s22] =	ssyncset.done $0x0  }
0xa2: {  	s23 =	simm.s32 $0x1B8E;
	[sflag:s22] =	ssyncadd.s32 $0xFFFFFFFF  }
0xa3: {  	s24 =	simm.s32 $execute0_lowered;
	[smem:$0x3FD2] =	sst s23  }
0xa4: {  	s3 =	sshll.u32 s24, $0x1;
	_ =	strace $0x80000046;
	[dreg:$0x1] =	wrdreg $0xFFFFFFFF  }
0xa5: {  	s25 =	simm.s32 $_size_execute0_lowered;
	s2 =	sadd.s32 s2, s3;
	[dreg:$0x0] =	wrdreg $0x0  }
0xa6: {  	s3 =	sshll.u32 s25, $0x1;
	[dreg:$0x2] =	wrdreg s2  }
0xa7: {  	[dreg:$0x3] =	wrdreg s3  }
0xa8: {  	[dreg:$0x4] =	wrdreg $0xC0  }
0xa9: {  	_ =	task [dreg:s6], $0x5FFFF  }
0xaa: {  	[dreg:$0x1] =	wrdreg $0xFFFFFFFF  }
0xab: {  	[dreg:$0x0] =	wrdreg $0x60  }
0xac: {  	[dreg:$0x2] =	wrdreg s0  }
0xad: {  	[dreg:$0x3] =	wrdreg s17  }
0xae: {  	[dreg:$0x4] =	wrdreg $0x9  }
0xaf: {  	_ =	task.clear_ibuf [dreg:s6], $0x5FFFF;
	_ =	strace $0x90000046  }
0xb0: {  	s26 =	simm.s32 $0x9;
	_ =	strace $0x80000048  }
0xb1: {  	_ =	swait.ge [sflag:s26], $0x1  }
0xb2: {  	[sflag:s26] =	ssyncadd.s32 $0xFFFFFFFF  }
0xb3: {  	_ =	strace $0x90000048  }
0xb4: {  	_ =	sfence  }
0xb5: {  	s28 =	sld [smem:$0x0];
	_ =	sdelay $0x1  }
0xb6: {  	s29 =	srdreg.scid  }
0xb7: {  	s30 =	sshll.u32 s29, $0xD;
	s31 =	sshrl.u32 s29, $0x2  }
0xb8: {  	s1 =	sand.u32 $0x1, s29;
	s2 =	sand.u32 $0x4000, s30;
	s0 =	sadd.s32 s31, s28  }
0xb9: {  	s1 =	sor.u32 s2, s1;
	s0 =	sshll.u32 s0, $0x11  }
0xba: {  	s0 =	sor.u32 s0, s1  }
0xbb: {  	s0 =	sadd.s32 $0x8F2B, s0  }
0xbc: {  	[sflag:s0] =	ssyncadd.remote.s32 $0x1  }
0xbd: {  	_ =	sfence.sel $0xFFFF  }
0xbe: {  	[dreg:$0x0] =	wrdreg $0xFFFFFFFF;
	(pc) =	sbr.abs _section_cstart, $3  }
0xbf: {  	[dreg:$0x1] =	wrdreg $0xFFFFFFFF  }
0xc0: {  	_ =	task.clear_ibuf [dreg:s6], $0x2FFFF;
	_ =	strace $0x9FFFFFFF  }
0xc1: {  	(tm) =	ssettm $0x7FFFFFFF  }
tec
execute0_lowered:
.L_overlay_start_1:
0x0: {  	(tag) =	ssettag $0x1  }
0x1: {  	s0 =	stileid.u32  }
0x2: {  	v0 =	vlaneseq.u32;
	s3 =	sshrl.u32 s0, $0x1  }
0x3: {  	v0 =	vadd.s32 $0xFFFFFFEC, v0;
	s1 =	sshll.u32 s3, $0x3  }
0x4: {  	v0 =	vadd.s32 s1, v0  }
0x5: {  	vm0 =	vgt.s32 v0, $0xFFFFF001  }
0x6: {  	v0 =	vnsel vm0, $0xFFFFF001, v0  }
0x7: {  	s4 =	rddreg [dreg:$0x0];
	vm0 =	vlt.s32 v0, $0x14  }
0x8: {  	s2 =	rddreg [dreg:$0x1];
	s5 =	simm.s32 $0x0;
	v0 =	vnsel vm0, $0x14, v0  }
0x9: {  	[smem:$0x7FF] =	sst s5;
	v0 =	vadd.s32 $0x14, v0  }
0xa: {  	p0 =	sgt.u32 s0, $0x9;
	s1 =	rddreg [dreg:$0x2];
	_ =	strace $0x80000047;
	[tilespmem:$0x0] =	vst v0  }
0xb: {  	v0 =	vld.msk @!p0 [tilespmem:$0x0], $0xff;
	_ =	sdelay $0x4  }
0xc: {  	v1 =	vshll.u32 @!p0 v0, $0x3  }
0xd: {  	v2 =	vlaneseq.u32 @!p0;
	v0 =	vand.u32 @!p0 $0x7, v0;
	v1 =	vand.u32 @!p0 $0xFFFFFFC0, v1  }
0xe: {  	v0 =	vor.u32 @!p0 v0, v1;
	v1 =	vand.u32 @!p0 $0x7, v2;
	v2 =	vshrl.u32 @!p0 v2, $0x3  }
0xf: {  	v0 =	vperm.xlane @!p0 v0, v1;
	v1 =	vmul.u32 @!p0 $0x8, v2;
	_ =	sdelay $0x1  }
0x10: {  	v0 =	vadd.s32 @!p0 v1, v0;
	_ =	sdelay $0x1  }
0x11: {  	s31 =	sshll.u32 s0, $0x9  }
0x12: {  	s6 =	sand.u32 $0x200, s31  }
0x13: {  	s7 =	simm.s32 @!p0 $0x0;
	s8 =	simm.s32 @!p0 $0x80;
	s4 =	sadd.s32 s4, s6;
	vm0 =	vmmov @!p0 $0xffff  }
0x14: {  	[tilespmem:s8], [sflag:$0x1] =	stream.indirect_vreg.gather @!p0 [hbm4b:s4+s7], $0x80, v0, vm0, $0xb8;
	[tilespmem:$0x1080] =	vst v63  }
0x15: {  	s10 =	simm.s32 @!p0 $0x880;
	s9 =	sadd.s32 @!p0 $0x100, s4  }
0x16: {  	[tilespmem:s10], [sflag:$0x1] =	stream.indirect_vreg.gather @!p0 [hbm4b:s9+s7], $0x80, v0, vm0, $0xb8;
	[tilespmem:$0x1080] =	vst v63  }
0x17: {  	s9 =	simm.s32 @!p0 $0x1  }
0x18: {  	_ =	swait.ge @!p0 [sflag:s9], $0x1000  }
0x19: {  	s6 =	sadd.s32 @!p0 s2, s6;
	s10 =	sshll.u32 @!p0 s3, $0xA;
	[sflag:s9] =	ssyncset.done @!p0 $0x0  }
0x1a: {  	s6 =	sadd.s32 @!p0 s10, s6;
	[sflag:s9] =	ssyncadd.s32 @!p0 $0xFFFFF000  }
0x1b: {  	[hbm4b:s6+s7] =	stream.linear.scatter @!p0 [tilespmem:s8], [sflag:$0x2], $0x1000, $0x38;
	[tilespmem:$0x1080] =	vst v63  }
0x1c: {  	s6 =	simm.s32 @!p0 $0x2  }
0x1d: {  	_ =	swait.ge @!p0 [sflag:s6], $0x1000  }
0x1e: {  	[sflag:s6] =	ssyncset.done @!p0 $0x0  }
0x1f: {  	[sflag:s6] =	ssyncadd.s32 @!p0 $0xFFFFF000;
	p0 =	sne.s32 s3, $0x5  }
0x20: {  	v0 =	vld.msk @!p0 [tilespmem:$0x0], $0xff;
	_ =	sdelay $0x4  }
0x21: {  	v1 =	vshll.u32 @!p0 v0, $0x3  }
0x22: {  	v2 =	vlaneseq.u32 @!p0;
	v0 =	vand.u32 @!p0 $0x7, v0;
	v1 =	vand.u32 @!p0 $0xFFFFFFC0, v1  }
0x23: {  	v0 =	vor.u32 @!p0 v0, v1;
	v1 =	vand.u32 @!p0 $0x7, v2;
	v2 =	vshrl.u32 @!p0 v2, $0x3  }
0x24: {  	v0 =	vperm.xlane @!p0 v0, v1;
	v1 =	vmul.u32 @!p0 $0x8, v2;
	_ =	sdelay $0x1  }
0x25: {  	v0 =	vadd.s32 @!p0 v1, v0;
	_ =	sdelay $0x3  }
0x26: {  	vm0 =	vmmov @!p0 $0xffff;
	s3 =	simm.s32 @!p0 $0x0;
	s6 =	simm.s32 @!p0 $0x80  }
0x27: {  	[tilespmem:s6], [sflag:$0x1] =	stream.indirect_vreg.gather @!p0 [hbm4b:s4+s3], $0x80, v0, vm0, $0xb8;
	[tilespmem:$0x1080] =	vst v63  }
0x28: {  	s7 =	simm.s32 @!p0 $0x880;
	s4 =	sadd.s32 @!p0 $0x100, s4  }
0x29: {  	[tilespmem:s7], [sflag:$0x1] =	stream.indirect_vreg.gather @!p0 [hbm4b:s4+s3], $0x80, v0, vm0, $0xb8;
	[tilespmem:$0x1080] =	vst v63  }
0x2a: {  	s4 =	simm.s32 @!p0 $0x1  }
0x2b: {  	_ =	swait.ge @!p0 [sflag:s4], $0x1000  }
0x2c: {  	[sflag:s4] =	ssyncset.done @!p0 $0x0  }
0x2d: {  	s2 =	sadd.s32 s2, s31;
	[sflag:s4] =	ssyncadd.s32 @!p0 $0xFFFFF000  }
0x2e: {  	[hbm4b:s2+s3] =	stream.linear.scatter @!p0 [tilespmem:s6], [sflag:$0x2], $0x80, $0x38;
	[tilespmem:$0x1080] =	vst v63  }
0x2f: {  	s5 =	simm.s32 @!p0 $0x480;
	s4 =	sadd.s32 @!p0 $0x80, s2  }
0x30: {  	[hbm4b:s4+s3] =	stream.linear.scatter @!p0 [tilespmem:s5], [sflag:$0x2], $0x80, $0x38;
	[tilespmem:$0x1080] =	vst v63  }
0x31: {  	s4 =	sadd.s32 @!p0 $0x100, s2  }
0x32: {  	[hbm4b:s4+s3] =	stream.linear.scatter @!p0 [tilespmem:s7], [sflag:$0x2], $0x80, $0x38;
	[tilespmem:$0x1080] =	vst v63  }
0x33: {  	s2 =	sadd.s32 @!p0 $0x180, s2;
	s4 =	simm.s32 @!p0 $0xC80  }
0x34: {  	[hbm4b:s2+s3] =	stream.linear.scatter @!p0 [tilespmem:s4], [sflag:$0x2], $0x80, $0x38;
	[tilespmem:$0x1080] =	vst v63  }
0x35: {  	s2 =	simm.s32 @!p0 $0x2  }
0x36: {  	_ =	swait.ge @!p0 [sflag:s2], $0x200  }
0x37: {  	[sflag:s2] =	ssyncset.done @!p0 $0x0  }
0x38: {  	[sflag:s2] =	ssyncadd.s32 @!p0 $0xFFFFFE00  }
0x39: {  	_ =	sfence.sel $0x180000  }
0x3a: {  	[bflag:$0x0] =	sbarrier.arrive $0xFFFF  }
0x3b: {  	p0 =	sne.s32 s0, $0x0;
	_ =	strace $0x90000047  }
0x3c: {  	s0 =	sadd.s32 @!p0 $0x100000, s1;
	[bflag:$0x2] =	sbarrier.arrive $0xFFFF  }
0x3d: {  	[sflag:s0] =	ssyncadd.tile.s32 @!p0 $0x1;
	_ =	shalt  }
.Lfunc_end2:
_tile_overlayer_lowered:
.L_overlay_start_2:
0x3e: {  	(tag) =	ssettag $0x2  }
0x3f: {  	s0 =	rddreg [dreg:$0x0];
	s2 =	stileid.u32  }
0x40: {  	s1 =	rddreg [dreg:$0x1];
	p0 =	sne.s32 s2, $0x0  }
0x41: {  	s3 =	rddreg [dreg:$0x2];
	[bflag:$0x3] =	sbarrier.arrive $0xFFFF;
	s2 =	simm.s32 @!p0 $0x1C02  }
0x42: {  	[timem:s3], [sflag:s2] =	dma.local @!p0 [hbm:s0], s1  }
0x43: {  	s0 =	simm.s32 @!p0 $0x2  }
0x44: {  	_ =	swait.ge @!p0 [sflag:s0], s1  }
0x45: {  	s1 =	ssub.s32 @!p0 $0x0, s1;
	[sflag:s0] =	ssyncset.done @!p0 $0x0  }
0x46: {  	[sflag:s0] =	ssyncadd.s32 @!p0 s1  }
0x47: {  	[bflag:$0x3] =	sbarrier.arrive $0xFFFF  }
0x48: {  	_ =	shalt  }

</sc_bundles>
